<compile_context>
chip_gen: v7x
topology: tpu7x:2x2x1
jax: 0.10.2.dev20260603
libtpu: 0.0.44.dev20260713+nightly
codegen_flags: <defaults>
</compile_context>

<pallas_src>
import dataclasses
import functools

import jax
import jax.numpy as jnp
from jax import lax
from jax.experimental import pallas as pl
from jax.experimental.pallas import tpu as pltpu
from jax.experimental.pallas import tpu_sc as plsc

N = 100000
E = 3200000
G = 256
BLK = 1024
NPAD = 100352
ROWS = NPAD // 16
NW = 32
EPW = E // NW
EB = 2000
NB = EPW // EB

_MESH = plsc.VectorSubcoreMesh(core_axis_name="c", subcore_axis_name="s")


def _strip_space(x):
    from jax._src import core as _jcore
    from jax._src.pallas import core as _pl_core
    return _pl_core.with_memory_space_constraint_p.bind(
        x, memory_space=_jcore.MemorySpace.Device)

_SC_PARAMS = pltpu.CompilerParams()
if "needs_layout_passes" in pltpu.CompilerParams.__dataclass_fields__:
    _SC_PARAMS = dataclasses.replace(
        _SC_PARAMS, needs_layout_passes=False, use_tc_tiling_on_sc=False)



def _deg_body(dst_hbm, out_hbm, idx0, idx1, deg2d, sem0, sem1):
    c = lax.axis_index("c")
    s = lax.axis_index("s")
    wid = c * 16 + s
    base = wid * EPW

    @pl.loop(0, ROWS)
    def _(i):
        deg2d[i, :] = jnp.zeros((16,), jnp.float32)

    ones = jnp.ones((16,), jnp.float32)

    def start(buf, sem, b):
        pltpu.async_copy(dst_hbm.at[pl.ds(base + b * EB, EB)], buf, sem)

    def wait(buf, sem):
        pltpu.make_async_copy(dst_hbm.at[pl.ds(base, EB)], buf, sem).wait()

    def process(buf):
        @pl.loop(0, EB, step=16)
        def _(j):
            d = buf[pl.ds(j, 16)]
            row = lax.shift_right_logical(d, 4)
            col = jnp.bitwise_and(d, 15)
            plsc.addupdate_scatter(deg2d, [row, col], ones)

    start(idx0, sem0, 0)

    @pl.loop(0, NB // 2)
    def _(p):
        b = p * 2
        start(idx1, sem1, b + 1)
        wait(idx0, sem0)
        process(idx0)

        @pl.when(p < NB // 2 - 1)
        def _():
            start(idx0, sem0, b + 2)

        wait(idx1, sem1)
        process(idx1)

    pltpu.sync_copy(deg2d, out_hbm.at[wid])


@jax.jit
def _sc_degree(dst):
    k = pl.kernel(
        _deg_body,
        out_type=pltpu.HBM((NW, ROWS, 16), jnp.float32),
        mesh=_MESH,
        compiler_params=_SC_PARAMS,
        scratch_types=[
            pltpu.VMEM((EB,), jnp.int32),
            pltpu.VMEM((EB,), jnp.int32),
            pltpu.VMEM((ROWS, 16), jnp.float32),
            pltpu.SemaphoreType.DMA,
            pltpu.SemaphoreType.DMA,
        ],
    )
    return k(dst)



EPAD = 3276800
ACCF = NPAD + 16
ZBF = ACCF // 16


def _make_edge_agg_body(nsb, sb, edge_split):

    def body(tab_hbm, src_hbm, dst_hbm, zer_hbm, out_hbm,
             sbuf0, sbuf1, dbuf0, dbuf1, rows0, rows1, shared,
             semi0, semi1, semg0, semg1, sems0, sems1):
        c = lax.axis_index("c")
        s = lax.axis_index("s")
        if edge_split:
            row_base = (c * 16 + s) * (nsb * sb)
        else:
            row_base = s * (nsb * sb)

        sbufs = (sbuf0, sbuf1)
        dbufs = (dbuf0, dbuf1)
        rowss = (rows0, rows1)
        semis = (semi0, semi1)
        semgs = (semg0, semg1)
        semss = (sems0, sems1)

        def start_idx(b, p):
            pltpu.async_copy(
                src_hbm.at[c, pl.ds(row_base + b * sb, sb)],
                sbufs[p], semis[p])
            pltpu.async_copy(
                dst_hbm.at[0, pl.ds(row_base + b * sb, sb)],
                dbufs[p], semis[p])

        def wait_idx(p):
            pltpu.make_async_copy(src_hbm.at[c, pl.ds(0, sb)],
                                  sbufs[p], semis[p]).wait()
            pltpu.make_async_copy(dst_hbm.at[0, pl.ds(0, sb)],
                                  dbufs[p], semis[p]).wait()

        def fire_gathers(p):
            pltpu.async_copy(tab_hbm.at[sbufs[p]], rowss[p],
                             semgs[p]).wait()

        def fire_scatters(p):
            pltpu.async_copy(rowss[p], shared.at[dbufs[p]], semss[p],
                             add=True)

        def drain_scatters(p):
            pltpu.make_async_copy(rowss[p], shared.at[dbufs[p]],
                                  semss[p]).wait()

        pltpu.sync_copy(zer_hbm, shared.at[pl.ds(s * ZBF, ZBF)])
        plsc.subcore_barrier()
        start_idx(0, 0)

        @pl.loop(0, nsb // 2)
        def _(p):
            b0 = p * 2
            wait_idx(0)
            fire_gathers(0)

            @pl.when(p > 0)
            def _():
                drain_scatters(1)

            fire_scatters(0)
            start_idx(b0 + 1, 1)
            wait_idx(1)
            fire_gathers(1)
            drain_scatters(0)
            fire_scatters(1)

            @pl.when(p < nsb // 2 - 1)
            def _():
                start_idx(b0 + 2, 0)

        drain_scatters(1)
        plsc.subcore_barrier()
        pltpu.sync_copy(shared.at[pl.ds(s * (NPAD // 16), NPAD // 16)],
                        out_hbm.at[c, pl.ds(s * (NPAD // 16), NPAD // 16)])

    return body


def _edge_agg_call(body, out_shape, width, sb, tab, src_arr, dst_arr, zer):
    k = pl.kernel(
        body,
        out_type=pltpu.HBM(out_shape, jnp.float32),
        mesh=_MESH,
        compiler_params=_SC_PARAMS,
        scratch_types=[
            pltpu.VMEM((sb,), jnp.int32),
            pltpu.VMEM((sb,), jnp.int32),
            pltpu.VMEM((sb,), jnp.int32),
            pltpu.VMEM((sb,), jnp.int32),
            pltpu.VMEM((sb, width), jnp.float32),
            pltpu.VMEM((sb, width), jnp.float32),
            pltpu.VMEM_SHARED((ACCF, width), jnp.float32),
            pltpu.SemaphoreType.DMA,
            pltpu.SemaphoreType.DMA,
            pltpu.SemaphoreType.DMA,
            pltpu.SemaphoreType.DMA,
            pltpu.SemaphoreType.DMA,
            pltpu.SemaphoreType.DMA,
        ],
    )
    return _strip_space(k(tab, src_arr, dst_arr, zer))


@jax.jit
def _sc_agg_b(g1t, src2b, dstg, zer8):
    sb = 1024
    body = _make_edge_agg_body(EPAD // 32 // sb, sb, edge_split=True)
    return _edge_agg_call(body, (2, NPAD, 8), 8, sb, g1t, src2b, dstg, zer8)


@jax.jit
def _sc_agg_c(g2flat, src2c, dstg, zer16):
    sb = 512
    body = _make_edge_agg_body(EPAD // 16 // sb, sb, edge_split=False)
    return _edge_agg_call(body, (2, NPAD, 16), 16, sb, g2flat, src2c, dstg,
                          zer16)




def _m1_body(aggb_ref, g1t_ref, dinv_ref, w1_ref, b1_ref, w2_ref, g2_ref):
    dinv = dinv_ref[...]
    z1 = dinv * (aggb_ref[...] + g1t_ref[...])
    h1 = jnp.maximum(
        jax.lax.dot(z1, w1_ref[...], preferred_element_type=jnp.float32)
        + b1_ref[...], 0.0)
    m2 = jax.lax.dot(h1, w2_ref[...], preferred_element_type=jnp.float32)
    g2_ref[...] = dinv * m2


def _m1_call(aggb, g1t, dinv2d, W1p, b1, W2):
    return pl.pallas_call(
        _m1_body,
        grid=(NPAD // BLK,),
        in_specs=[
            pl.BlockSpec((BLK, 8), lambda i: (i, 0)),
            pl.BlockSpec((BLK, 8), lambda i: (i, 0)),
            pl.BlockSpec((BLK, 1), lambda i: (i, 0)),
            pl.BlockSpec((8, 64), lambda i: (0, 0)),
            pl.BlockSpec((1, 64), lambda i: (0, 0)),
            pl.BlockSpec((64, 32), lambda i: (0, 0)),
        ],
        out_specs=pl.BlockSpec((BLK, 32), lambda i: (i, 0)),
        out_shape=jax.ShapeDtypeStruct((NPAD, 32), jnp.float32),
    )(aggb, g1t, dinv2d, W1p, b1.reshape(1, 64), W2)



def _pool_body(batch_ref, agg2_ref, g2_ref, dinv_ref, b2_ref, w3_ref,
               b3_ref, out_ref, acc_ref, cnt_ref):
    step = pl.program_id(0)

    @pl.when(step == 0)
    def _():
        acc_ref[...] = jnp.zeros_like(acc_ref)
        cnt_ref[...] = jnp.zeros_like(cnt_ref)

    h2 = jnp.maximum(
        dinv_ref[...] * (agg2_ref[...] + g2_ref[...]) + b2_ref[...], 0.0)
    ids = batch_ref[...][0]
    onehot = (ids == lax.broadcasted_iota(jnp.int32, (G, BLK), 0)).astype(
        jnp.float32
    )
    acc_ref[...] += lax.dot_general(
        onehot, h2, (((1,), (0,)), ((), ())),
        preferred_element_type=jnp.float32,
    )
    cnt_ref[...] += jnp.sum(onehot, axis=1, keepdims=True)

    @pl.when(step == pl.num_programs(0) - 1)
    def _():
        pooled = acc_ref[...] / jnp.maximum(cnt_ref[...], 1.0)
        out_ref[...] = (
            jax.lax.dot(pooled, w3_ref[...],
                        preferred_element_type=jnp.float32) + b3_ref[...])


def _pool_call(agg2, g2, dinv2d, batch, b2, W3, b3):
    bpad = jnp.pad(batch.astype(jnp.int32), (0, NPAD - N), constant_values=G)
    b3d = bpad.reshape(NPAD // BLK, 1, BLK)
    return pl.pallas_call(
        _pool_body,
        grid=(NPAD // BLK,),
        in_specs=[
            pl.BlockSpec((1, 1, BLK), lambda i: (i, 0, 0)),
            pl.BlockSpec((BLK, 32), lambda i: (i, 0)),
            pl.BlockSpec((BLK, 32), lambda i: (i, 0)),
            pl.BlockSpec((BLK, 1), lambda i: (i, 0)),
            pl.BlockSpec((1, 32), lambda i: (0, 0)),
            pl.BlockSpec((32, 5), lambda i: (0, 0)),
            pl.BlockSpec((1, 5), lambda i: (0, 0)),
        ],
        out_specs=pl.BlockSpec((G, 5), lambda i: (0, 0)),
        out_shape=jax.ShapeDtypeStruct((G, 5), jnp.float32),
        scratch_shapes=[pltpu.VMEM((G, 32), jnp.float32),
                        pltpu.VMEM((G, 1), jnp.float32)],
    )(b3d, agg2, g2, dinv2d, b2.reshape(1, 32), W3, b3.reshape(1, 5))


def kernel(x, edge_index, batch, W1, b1, W2, b2, W3, b3):
    edge_index = edge_index.astype(jnp.int32)
    batch = batch.astype(jnp.int32)
    src, dst = edge_index[0], edge_index[1]

    degp = _strip_space(_sc_degree(dst))
    deg = 1.0 + degp.sum(axis=0).reshape(NPAD)
    dinv = lax.rsqrt(deg)
    dinv2d = dinv.reshape(NPAD, 1)

    srcp = jnp.concatenate([src, jnp.zeros((EPAD - E,), jnp.int32)])
    dstp = jnp.concatenate([dst, jnp.full((EPAD - E,), NPAD, jnp.int32)])
    dstg = dstp.reshape(1, EPAD)
    src2b = jnp.stack([srcp, srcp])
    src2c = jnp.stack([srcp, srcp + NPAD])

    g1t = jnp.zeros((NPAD, 8), jnp.float32)
    g1t = g1t.at[:N, :7].set(dinv[:N, None] * x)
    zer8 = jnp.zeros((ZBF, 8), jnp.float32)
    zer16 = jnp.zeros((ZBF, 16), jnp.float32)
    aggb = _sc_agg_b(g1t, src2b, dstg, zer8)
    aggb1 = aggb[0] + aggb[1]

    W1p = jnp.zeros((8, 64), jnp.float32).at[:7].set(W1)
    g2 = _m1_call(aggb1, g1t, dinv2d, W1p, b1, W2)

    g2p = jnp.stack([g2[:, :16], g2[:, 16:]])
    aggc = _sc_agg_c(g2p.reshape(2 * NPAD, 16), src2c, dstg,
                     zer16)
    agg2 = jnp.concatenate([aggc[0], aggc[1]], axis=1)

    return _pool_call(agg2, g2, dinv2d, batch, b2, W3, b3)

# --- scband reference (transcript-rebuilt; emitter-appended) ---
"""Pipeline reference for scband-gnn-16801912062414 (READ-ONLY COPY).

The authoritative reference and input builder live on the scoring server;
editing this copy changes nothing except your own understanding.
"""

import jax, jax.numpy as jnp
import numpy as np

N_NODES = 100000
N_EDGES = 3200000
N_GRAPHS = 256


def gcn_conv(x, edge_index, W, b):
    n = x.shape[0]
    src = edge_index[0]
    dst = edge_index[1]
    # add self loops (PyG GCNConv default)
    loop = jnp.arange(n, dtype=src.dtype)
    src = jnp.concatenate([src, loop])
    dst = jnp.concatenate([dst, loop])
    # linear transform first
    xw = x @ W
    # symmetric normalization deg^-1/2 A deg^-1/2 (deg computed on dst/col)
    deg = jnp.zeros((n,), dtype=xw.dtype).at[dst].add(1.0)
    dinv = jnp.where(deg > 0, deg ** -0.5, 0.0)
    norm = dinv[src] * dinv[dst]
    msg = norm[:, None] * jnp.take(xw, src, axis=0)
    out = jnp.zeros((n, W.shape[1]), dtype=xw.dtype).at[dst].add(msg)
    return out + b


def global_mean_pool(x, batch, num_graphs):
    sums = jax.ops.segment_sum(x, batch, num_segments=num_graphs)
    cnt = jax.ops.segment_sum(jnp.ones((x.shape[0],), dtype=x.dtype), batch, num_segments=num_graphs)
    return sums / jnp.clip(cnt, 1.0)[:, None]


def setup_inputs(seed: int = 0) -> dict:
    key = jax.random.key(seed)
    k1, k2, k3, k4, k5, k6, k7, k8, k9 = jax.random.split(key, 9)
    x = jax.random.normal(k1, (N_NODES, 7), dtype=jnp.float32)
    edge_index = jax.random.randint(k2, (2, N_EDGES), 0, N_NODES, dtype=jnp.int64)
    batch = jnp.sort(jax.random.randint(k3, (N_NODES,), 0, N_GRAPHS, dtype=jnp.int64))
    W1 = jax.random.normal(k4, (7, 64), dtype=jnp.float32) * (1.0 / np.sqrt(7))
    b1 = jnp.zeros((64,), dtype=jnp.float32)
    W2 = jax.random.normal(k5, (64, 32), dtype=jnp.float32) * (1.0 / np.sqrt(64))
    b2 = jnp.zeros((32,), dtype=jnp.float32)
    W3 = jax.random.normal(k6, (32, 5), dtype=jnp.float32) * (1.0 / np.sqrt(32))
    b3 = jnp.zeros((5,), dtype=jnp.float32)
    return {"x": x, "edge_index": edge_index, "batch": batch, "W1": W1, "b1": b1, "W2": W2, "b2": b2, "W3": W3, "b3": b3}


def reference(x, edge_index, batch, W1, b1, W2, b2, W3, b3):
    h = gcn_conv(x, edge_index, W1, b1)
    h = jax.nn.relu(h)
    h = gcn_conv(h, edge_index, W2, b2)
    h = jax.nn.relu(h)
    h = h @ W3 + b3
    out = global_mean_pool(h, batch, N_GRAPHS)
    return out

if __name__ == "__main__":
    import jax
    _d = setup_inputs()
    print(jax.jit(kernel)(*tuple(_d.values())))

</pallas_src>

<mosaic_0001>
#map = affine_map<(d0, d1) -> (0)>
#map1 = affine_map<(d0, d1) -> (0, 0, 0)>
module attributes {stable_mosaic.version = 14 : i64} {
  func.func @_deg_body(%arg0: i32, %arg1: i32, %arg2: memref<3200000xi32, #tpu.memory_space<hbm>>, %arg3: memref<32x6272x16xf32, #tpu.memory_space<hbm>>, %arg4: memref<2000xi32, #tpu.memory_space<vmem>>, %arg5: memref<2000xi32, #tpu.memory_space<vmem>>, %arg6: memref<6272x16xf32, #tpu.memory_space<vmem>>, %arg7: memref<!tpu.dma_semaphore, #tpu.memory_space<semaphore_mem>>, %arg8: memref<!tpu.dma_semaphore, #tpu.memory_space<semaphore_mem>>) attributes {dimension_semantics = [#tpu.dimension_semantics<core_parallel>, #tpu.dimension_semantics<subcore_parallel>], iteration_bounds = array<i64: 2, 16>, scalar_prefetch = 0 : i64, scratch_operands = 5 : i64, tpu.core_type = #tpu.core_type<sc_vector_subcore>, window_params = [{transform_indices = #map}, {transform_indices = #map1}]} {
    %mul3A = arith.constant 16 : i32
    %mul3A_0 = arith.muli %arg0, %mul3A : i32
    %add3A = arith.addi %mul3A_0, %arg1 : i32
    %mul3A_1 = arith.constant 100000 : i32
    %mul3A_2 = arith.muli %add3A, %mul3A_1 : i32
    %scan3A = arith.constant 0 : i32
    %scan3A_3 = arith.constant 6272 : i32
    %scan3A_4 = arith.addi %scan3A, %scan3A_3 : i32
    %scan3A_5 = arith.constant 1 : i32
    scf.for %scan3A_16 = %scan3A to %scan3A_4 step %scan3A_5  : i32 {
      %mul3A_17 = arith.constant 1 : i32
      %mul3A_18 = arith.muli %scan3A_16, %mul3A_17 : i32
      %add3A_19 = arith.constant 0 : i32
      %add3A_20 = arith.addi %add3A_19, %mul3A_18 : i32
      %broadcast_in_dim3A_21 = arith.constant 0.000000e+00 : f32
      %broadcast_in_dim3A_22 = vector.broadcast %broadcast_in_dim3A_21 : f32 to vector<16xf32>
      %swap3A = arith.index_cast %add3A_20 : i32 to index
      %swap3A_23 = arith.constant 0 : index
      %swap3A_24 = tpu.vector_load %arg6[%swap3A, %swap3A_23] {strides = array<i32>} : memref<6272x16xf32, #tpu.memory_space<vmem>>, vector<16xf32>,
      tpu.vector_store %arg6[%swap3A, %swap3A_23], %broadcast_in_dim3A_22 {strides = array<i32>} : memref<6272x16xf32, #tpu.memory_space<vmem>>, vector<16xf32>,
    }
    %scan3A_6 = arith.constant 6272 : i32
    %broadcast_in_dim3A = arith.constant 1.000000e+00 : f32
    %broadcast_in_dim3A_7 = vector.broadcast %broadcast_in_dim3A : f32 to vector<16xf32>
    %add3A_8 = arith.constant 0 : i32
    %add3A_9 = arith.addi %mul3A_2, %add3A_8 : i32
    %dma_start3A = tpu.memref_slice %arg2[%add3A_9] : memref<3200000xi32, #tpu.memory_space<hbm>> -> memref<2000xi32, #tpu.memory_space<hbm>>
    %dma_start3A_10 = tpu.memref_slice %arg2[%add3A_9] : memref<3200000xi32, #tpu.memory_space<hbm>> -> memref<2000xi32, #tpu.memory_space<hbm>>
    tpu.enqueue_dma source(%dma_start3A_10 : memref<2000xi32, #tpu.memory_space<hbm>>) target(%arg4 : memref<2000xi32, #tpu.memory_space<vmem>>) target_semaphore(%arg7 : memref<!tpu.dma_semaphore, #tpu.memory_space<semaphore_mem>>)
    %scan3A_11 = arith.constant 0 : i32
    %scan3A_12 = arith.constant 25 : i32
    %scan3A_13 = arith.addi %scan3A_11, %scan3A_12 : i32
    %scan3A_14 = arith.constant 1 : i32
    scf.for %scan3A_16 = %scan3A_11 to %scan3A_13 step %scan3A_14  : i32 {
      %mul3A_17 = arith.constant 1 : i32
      %mul3A_18 = arith.muli %scan3A_16, %mul3A_17 : i32
      %add3A_19 = arith.constant 0 : i32
      %add3A_20 = arith.addi %add3A_19, %mul3A_18 : i32
      %mul3A_21 = arith.constant 2 : i32
      %mul3A_22 = arith.muli %add3A_20, %mul3A_21 : i32
      %add3A_23 = arith.constant 1 : i32
      %add3A_24 = arith.addi %mul3A_22, %add3A_23 : i32
      %mul3A_25 = arith.constant 2000 : i32
      %mul3A_26 = arith.muli %add3A_24, %mul3A_25 : i32
      %add3A_27 = arith.addi %mul3A_2, %mul3A_26 : i32
      %dma_start3A_28 = tpu.memref_slice %arg2[%add3A_27] : memref<3200000xi32, #tpu.memory_space<hbm>> -> memref<2000xi32, #tpu.memory_space<hbm>>
      %dma_start3A_29 = tpu.memref_slice %arg2[%add3A_27] : memref<3200000xi32, #tpu.memory_space<hbm>> -> memref<2000xi32, #tpu.memory_space<hbm>>
      tpu.enqueue_dma source(%dma_start3A_29 : memref<2000xi32, #tpu.memory_space<hbm>>) target(%arg5 : memref<2000xi32, #tpu.memory_space<vmem>>) target_semaphore(%arg8 : memref<!tpu.dma_semaphore, #tpu.memory_space<semaphore_mem>>)
      %dma_wait3A = tpu.memref_slice %arg2[%mul3A_2] : memref<3200000xi32, #tpu.memory_space<hbm>> -> memref<2000xi32, #tpu.memory_space<hbm>>
      %dma_wait3A_30 = tpu.memref_slice %arg2[%mul3A_2] : memref<3200000xi32, #tpu.memory_space<hbm>> -> memref<2000xi32, #tpu.memory_space<hbm>>
      tpu.wait_dma2 semaphore(%arg7 : memref<!tpu.dma_semaphore, #tpu.memory_space<semaphore_mem>>) src(%dma_wait3A_30 : memref<2000xi32, #tpu.memory_space<hbm>>) dst(%arg4 : memref<2000xi32, #tpu.memory_space<vmem>>)
      %scan3A_31 = arith.constant 0 : i32
      %scan3A_32 = arith.constant 125 : i32
      %scan3A_33 = arith.addi %scan3A_31, %scan3A_32 : i32
      %scan3A_34 = arith.constant 1 : i32
      scf.for %scan3A_45 = %scan3A_31 to %scan3A_33 step %scan3A_34  : i32 {
        %mul3A_46 = arith.constant 16 : i32
        %mul3A_47 = arith.muli %scan3A_45, %mul3A_46 : i32
        %add3A_48 = arith.constant 0 : i32
        %add3A_49 = arith.addi %add3A_48, %mul3A_47 : i32
        %get3A = arith.index_cast %add3A_49 : i32 to index
        %get3A_50 = tpu.vector_load %arg4[%get3A] {strides = array<i32>} : memref<2000xi32, #tpu.memory_space<vmem>>, vector<16xi32>,
        %shift_right_logical3A = arith.constant 4 : i32
        %shift_right_logical3A_51 = vector.broadcast %shift_right_logical3A : i32 to vector<16xi32>
        %shift_right_logical3A_52 = arith.shrui %get3A_50, %shift_right_logical3A_51 : vector<16xi32>
        %and3A = arith.constant 15 : i32
        %and3A_53 = vector.broadcast %and3A : i32 to vector<16xi32>
        %and3A_54 = arith.andi %get3A_50, %and3A_53 : vector<16xi32>
        tpu.vector_store_idx %arg6[%shift_right_logical3A_52, %and3A_54], %broadcast_in_dim3A_7 {add = true} : memref<6272x16xf32, #tpu.memory_space<vmem>>[vector<16xi32>, vector<16xi32>], vector<16xf32>,
      }
      %scan3A_35 = arith.constant 125 : i32
      %lt3A = arith.constant 24 : i32
      %lt3A_36 = arith.cmpi slt, %add3A_20, %lt3A : i32
      %convert_element_type3A = arith.extui %lt3A_36 : i1 to i32
      %cond3A = arith.constant 0 : i32
      %cond3A_37 = arith.cmpi ne, %convert_element_type3A, %cond3A : i32
      scf.if %cond3A_37 {
        %add3A_45 = arith.constant 2 : i32
        %add3A_46 = arith.addi %mul3A_22, %add3A_45 : i32
        %mul3A_47 = arith.constant 2000 : i32
        %mul3A_48 = arith.muli %add3A_46, %mul3A_47 : i32
        %add3A_49 = arith.addi %mul3A_2, %mul3A_48 : i32
        %dma_start3A_50 = tpu.memref_slice %arg2[%add3A_49] : memref<3200000xi32, #tpu.memory_space<hbm>> -> memref<2000xi32, #tpu.memory_space<hbm>>
        %dma_start3A_51 = tpu.memref_slice %arg2[%add3A_49] : memref<3200000xi32, #tpu.memory_space<hbm>> -> memref<2000xi32, #tpu.memory_space<hbm>>
        tpu.enqueue_dma source(%dma_start3A_51 : memref<2000xi32, #tpu.memory_space<hbm>>) target(%arg4 : memref<2000xi32, #tpu.memory_space<vmem>>) target_semaphore(%arg7 : memref<!tpu.dma_semaphore, #tpu.memory_space<semaphore_mem>>)
      } else {
      }
      %dma_wait3A_38 = tpu.memref_slice %arg2[%mul3A_2] : memref<3200000xi32, #tpu.memory_space<hbm>> -> memref<2000xi32, #tpu.memory_space<hbm>>
      %dma_wait3A_39 = tpu.memref_slice %arg2[%mul3A_2] : memref<3200000xi32, #tpu.memory_space<hbm>> -> memref<2000xi32, #tpu.memory_space<hbm>>
      tpu.wait_dma2 semaphore(%arg8 : memref<!tpu.dma_semaphore, #tpu.memory_space<semaphore_mem>>) src(%dma_wait3A_39 : memref<2000xi32, #tpu.memory_space<hbm>>) dst(%arg5 : memref<2000xi32, #tpu.memory_space<vmem>>)
      %scan3A_40 = arith.constant 0 : i32
      %scan3A_41 = arith.constant 125 : i32
      %scan3A_42 = arith.addi %scan3A_40, %scan3A_41 : i32
      %scan3A_43 = arith.constant 1 : i32
      scf.for %scan3A_45 = %scan3A_40 to %scan3A_42 step %scan3A_43  : i32 {
        %mul3A_46 = arith.constant 16 : i32
        %mul3A_47 = arith.muli %scan3A_45, %mul3A_46 : i32
        %add3A_48 = arith.constant 0 : i32
        %add3A_49 = arith.addi %add3A_48, %mul3A_47 : i32
        %get3A = arith.index_cast %add3A_49 : i32 to index
        %get3A_50 = tpu.vector_load %arg5[%get3A] {strides = array<i32>} : memref<2000xi32, #tpu.memory_space<vmem>>, vector<16xi32>,
        %shift_right_logical3A = arith.constant 4 : i32
        %shift_right_logical3A_51 = vector.broadcast %shift_right_logical3A : i32 to vector<16xi32>
        %shift_right_logical3A_52 = arith.shrui %get3A_50, %shift_right_logical3A_51 : vector<16xi32>
        %and3A = arith.constant 15 : i32
        %and3A_53 = vector.broadcast %and3A : i32 to vector<16xi32>
        %and3A_54 = arith.andi %get3A_50, %and3A_53 : vector<16xi32>
        tpu.vector_store_idx %arg6[%shift_right_logical3A_52, %and3A_54], %broadcast_in_dim3A_7 {add = true} : memref<6272x16xf32, #tpu.memory_space<vmem>>[vector<16xi32>, vector<16xi32>], vector<16xf32>,
      }
      %scan3A_44 = arith.constant 125 : i32
    }
    %scan3A_15 = arith.constant 25 : i32
    "tpu.region"() ({
      %run_scoped3A = tpu.sem_alloc : memref<!tpu.dma_semaphore, #tpu.memory_space<semaphore_mem>>
      %dma_start3A_16 = arith.constant 0 : i32
      %dma_start3A_17 = arith.constant 0 : i32
      %dma_start3A_18 = tpu.memref_slice %arg3[%add3A, %dma_start3A_16, %dma_start3A_17] : memref<32x6272x16xf32, #tpu.memory_space<hbm>> -> memref<1x6272x16xf32, #tpu.memory_space<hbm>>
      %dma_start3A_19 = tpu.memref_squeeze %dma_start3A_18 : memref<1x6272x16xf32, #tpu.memory_space<hbm>> -> memref<6272x16xf32, #tpu.memory_space<hbm>>
      %dma_start3A_20 = arith.constant 0 : i32
      %dma_start3A_21 = arith.constant 0 : i32
      %dma_start3A_22 = tpu.memref_slice %arg3[%add3A, %dma_start3A_20, %dma_start3A_21] : memref<32x6272x16xf32, #tpu.memory_space<hbm>> -> memref<1x6272x16xf32, #tpu.memory_space<hbm>>
      %dma_start3A_23 = tpu.memref_squeeze %dma_start3A_22 : memref<1x6272x16xf32, #tpu.memory_space<hbm>> -> memref<6272x16xf32, #tpu.memory_space<hbm>>
      tpu.enqueue_dma source(%arg6 : memref<6272x16xf32, #tpu.memory_space<vmem>>) target(%dma_start3A_23 : memref<6272x16xf32, #tpu.memory_space<hbm>>) target_semaphore(%run_scoped3A : memref<!tpu.dma_semaphore, #tpu.memory_space<semaphore_mem>>)
      %dma_wait3A = arith.constant 0 : i32
      %dma_wait3A_24 = arith.constant 0 : i32
      %dma_wait3A_25 = tpu.memref_slice %arg3[%add3A, %dma_wait3A, %dma_wait3A_24] : memref<32x6272x16xf32, #tpu.memory_space<hbm>> -> memref<1x6272x16xf32, #tpu.memory_space<hbm>>
      %dma_wait3A_26 = tpu.memref_squeeze %dma_wait3A_25 : memref<1x6272x16xf32, #tpu.memory_space<hbm>> -> memref<6272x16xf32, #tpu.memory_space<hbm>>
      %dma_wait3A_27 = arith.constant 0 : i32
      %dma_wait3A_28 = arith.constant 0 : i32
      %dma_wait3A_29 = tpu.memref_slice %arg3[%add3A, %dma_wait3A_27, %dma_wait3A_28] : memref<32x6272x16xf32, #tpu.memory_space<hbm>> -> memref<1x6272x16xf32, #tpu.memory_space<hbm>>
      %dma_wait3A_30 = tpu.memref_squeeze %dma_wait3A_29 : memref<1x6272x16xf32, #tpu.memory_space<hbm>> -> memref<6272x16xf32, #tpu.memory_space<hbm>>
      tpu.wait_dma2 semaphore(%run_scoped3A : memref<!tpu.dma_semaphore, #tpu.memory_space<semaphore_mem>>) src(%arg6 : memref<6272x16xf32, #tpu.memory_space<vmem>>) dst(%dma_wait3A_30 : memref<6272x16xf32, #tpu.memory_space<hbm>>)
      tpu.yield
    }) : () -> ()
    return
  }
}

</mosaic_0001>

<sc_bundles>
// kernel: _sc_degree.3.cloned.1.call-start
scs
__scs_entry_jumppad:
0x0: {  	(pc) =	sbr.rel $0x88, $3  }
0x1: {  	(tag) =	ssettag $0x0;
	lr =	simm.s32 $0x1  }
0x2: {  	[smem:$0x3FA0] =	sst lr;
	_ =	strace $0xD0000000  }
0x3: {  	_ = 	snop  }
0x4: {  	_ = 	snop  }
0x5: {  	_ = 	snop  }
0x6: {  	_ = 	snop  }
0x7: {  	_ = 	snop  }
__scs_overlays_trampoline_lowered:
0x8: {  	[smem:$0x3FAF] =	sst s0  }
0x9: {  	[smem:$0x3FB0] =	sst s1  }
0xa: {  	[smem:$0x3FB1] =	sst s2  }
0xb: {  	[smem:$0x3FB2] =	sst s3  }
0xc: {  	[smem:$0x3FB3] =	sst s4  }
0xd: {  	[smem:$0x3FB4] =	sst s5  }
0xe: {  	[smem:$0x3FB5] =	sst s6  }
0xf: {  	[smem:$0x3FB6] =	sst s7  }
0x10: {  	[smem:$0x3FB7] =	sst s8  }
0x11: {  	[smem:$0x3FB8] =	sst s9;
	s0 =	simm.s32 @!p0 $0x0  }
0x12: {  	s1 =	sld [smem:$0x3F9E];
	s0 =	simm.s32 @p0 $0x1  }
0x13: {  	[smem:$0x3FB9] =	sst s0;
	s0 =	simm.s32 @!p1 $0x0  }
0x14: {  	s2 =	sld [smem:$0x3F9D];
	s0 =	simm.s32 @p1 $0x1  }
0x15: {  	[smem:$0x3FBA] =	sst s0;
	s0 =	simm.s32 @!p2 $0x0  }
0x16: {  	s3 =	sld [smem:$0x3FDB];
	s0 =	simm.s32 @p2 $0x1  }
0x17: {  	s4 =	simm.s32 $0x1BF5;
	[smem:$0x3FBC] =	sst s0  }
0x18: {  	s0 =	sld [smem:$0x3F9F];
	_ =	swait.ge [sflag:s4], $0x0  }
0x19: {  	s7 =	sld [smem:$0x3FA0]  }
0x1a: {  	s8 =	sadd.s32 $0xFFFFE003, lr  }
0x1b: {  	s9 =	sadd.s32 $0xFFFFFEF7, lr;
	s5 =	simm.s32 $0xFFFFFFFF;
	p2 =	slt.u32 s8, $0xFFFFF086  }
0x1c: {  	p1 =	slt.u32 s9, $0xF7A;
	s5 =	simm.s32 @!p2 $0x0  }
0x1d: {  	s5 =	simm.s32 @p1 $0x1;
	p0 =	seq.s32 s7, s2  }
0x1e: {  	s7 =	smul.u32 @!p0 $0xF7A, s2;
	p2 =	seq.s32 @!p0 s5, $0x0  }
0x1f: {  	s9 =	smul.u32 $0xF7A, s1;
	s8 =	simm.s32 @!p0 $0x1BF5;
	p2 =	por !p2, p0  }
0x20: {  	[sflag:s8] =	ssyncset.s32 @!p0 $0xFFFFF086;
	s6 =	sadd.s32 @!p0 s3, s7;
	s7 =	simm.s32 @!p0 $0x108  }
0x21: {  	s3 =	sadd.s32 s3, s9;
	s6 =	sadd.s32 @!p0 $0x88, s6;
	s7 =	simm.s32 @p2 $0x1082  }
0x22: {  	[simem:s7], [sflag:s8] =	dma.local @!p0 [hbm:s6], $0xF7A  }
0x23: {  	s9 =	sor.u32 $0xD0000000, s2;
	s6 =	simm.s32 $0x108;
	_ =	swait.ge @!p0 [sflag:s8], $0x0  }
0x24: {  	s3 =	sadd.s32 $0x88, s3;
	s6 =	simm.s32 @!p1 $0x1082;
	[sflag:s4] =	ssyncset.s32 $0xFFFFF086  }
0x25: {  	[simem:s6], [sflag:s4] =	dma.local [hbm:s3], $0xF7A  }
0x26: {  	[smem:$0x3FA0] =	sst s1;
	(tag) =	ssettag s2;
	_ =	strace s9  }
0x27: {  	s1 =	sld [smem:$0x3FB0]  }
0x28: {  	s2 =	sld [smem:$0x3FB1]  }
0x29: {  	s4 =	sld [smem:$0x3FB3]  }
0x2a: {  	p0 =	seq.s32 s5, $0x0;
	s5 =	sld [smem:$0x3FB4]  }
0x2b: {  	s6 =	sld [smem:$0x3FB5]  }
0x2c: {  	s7 =	sld [smem:$0x3FB6]  }
0x2d: {  	s3 =	simm.s32 $0x108;
	s8 =	sld [smem:$0x3FB7]  }
0x2e: {  	s3 =	simm.s32 @!p0 $0x1082;
	s9 =	sld [smem:$0x3FB8]  }
0x2f: {  	lr =	sadd.s32 s0, s3;
	s0 =	sld [smem:$0x3FAF]  }
0x30: {  	s3 =	sld [smem:$0x3FB2]  }
0x31: {  	[smem:$0x3FBB] =	sst s10  }
0x32: {  	s10 =	sld [smem:$0x3FB9];
	_ =	sdelay $0x3  }
0x33: {  	p0 =	seq.s32 s10, $0x1;
	s10 =	sld [smem:$0x3FBB];
	_ =	sdelay $0x3  }
0x34: {  	[smem:$0x3FBB] =	sst s10  }
0x35: {  	s10 =	sld [smem:$0x3FBA];
	_ =	sdelay $0x3  }
0x36: {  	p1 =	seq.s32 s10, $0x1;
	s10 =	sld [smem:$0x3FBB];
	_ =	sdelay $0x3  }
0x37: {  	[smem:$0x3FBB] =	sst s10  }
0x38: {  	s10 =	sld [smem:$0x3FBC]  }
0x39: {  	_ = 	snop;
	(pc) =	sbr.ind lr, $3  }
0x3a: {  	_ = 	snop  }
0x3b: {  	_ = 	snop  }
0x3c: {  	p2 =	seq.s32 s10, $0x1;
	s10 =	sld [smem:$0x3FBB]  }
0x3d: {  	_ =	shalt  }
0x3e: {  	_ =	shalt  }
0x3f: {  	_ =	shalt  }
0x40: {  	_ =	shalt  }
0x41: {  	_ =	shalt  }
0x42: {  	_ =	shalt  }
0x43: {  	_ =	shalt  }
0x44: {  	_ =	shalt  }
0x45: {  	_ =	shalt  }
0x46: {  	_ =	shalt  }
0x47: {  	_ =	shalt  }
0x48: {  	_ =	shalt  }
0x49: {  	_ =	shalt  }
0x4a: {  	_ =	shalt  }
0x4b: {  	_ =	shalt  }
0x4c: {  	_ =	shalt  }
0x4d: {  	_ =	shalt  }
0x4e: {  	_ =	shalt  }
0x4f: {  	_ =	shalt  }
0x50: {  	_ =	shalt  }
0x51: {  	_ =	shalt  }
0x52: {  	_ =	shalt  }
0x53: {  	_ =	shalt  }
0x54: {  	_ =	shalt  }
0x55: {  	_ =	shalt  }
0x56: {  	_ =	shalt  }
0x57: {  	_ =	shalt  }
0x58: {  	_ =	shalt  }
0x59: {  	_ =	shalt  }
0x5a: {  	_ =	shalt  }
0x5b: {  	_ =	shalt  }
0x5c: {  	_ =	shalt  }
0x5d: {  	_ =	shalt  }
0x5e: {  	_ =	shalt  }
0x5f: {  	_ =	shalt  }
0x60: {  	_ =	shalt  }
0x61: {  	_ =	shalt  }
0x62: {  	_ =	shalt  }
0x63: {  	_ =	shalt  }
0x64: {  	_ =	shalt  }
0x65: {  	_ =	shalt  }
0x66: {  	_ =	shalt  }
0x67: {  	_ =	shalt  }
0x68: {  	_ =	shalt  }
0x69: {  	_ =	shalt  }
0x6a: {  	_ =	shalt  }
0x6b: {  	_ =	shalt  }
0x6c: {  	_ =	shalt  }
0x6d: {  	_ =	shalt  }
0x6e: {  	_ =	shalt  }
0x6f: {  	_ =	shalt  }
0x70: {  	_ =	shalt  }
0x71: {  	_ =	shalt  }
0x72: {  	_ =	shalt  }
0x73: {  	_ =	shalt  }
0x74: {  	_ =	shalt  }
0x75: {  	_ =	shalt  }
0x76: {  	_ =	shalt  }
0x77: {  	_ =	shalt  }
0x78: {  	_ =	shalt  }
0x79: {  	_ =	shalt  }
0x7a: {  	_ =	shalt  }
0x7b: {  	_ =	shalt  }
0x7c: {  	_ =	shalt  }
0x7d: {  	_ =	shalt  }
0x7e: {  	_ =	shalt  }
0x7f: {  	_ =	shalt  }
0x80: {  	_ =	shalt  }
0x81: {  	_ =	shalt  }
0x82: {  	_ =	shalt  }
0x83: {  	_ =	shalt  }
0x84: {  	_ =	shalt  }
0x85: {  	_ =	shalt  }
0x86: {  	_ =	shalt  }
0x87: {  	_ =	shalt  }
.Lfunc_end0:
.L_simem_size_0:
called_computation_lowered:
.L_overlay_start_0:
0x88: {  	s2 =	sld [smem:$0x3FD9]  }
0x89: {  	s3 =	sld [smem:$0x3FFE];
	_ =	sdelay $0x1  }
0x8a: {  	s1 =	srdreg.scid  }
0x8b: {  	s0 =	sand.u32 $0x1, s1  }
0x8c: {  	s18 =	sshll.u32 s0, $0xA;
	s2 =	sadd.s32 s3, s2  }
0x8d: {  	s2 =	sadd.s32 s2, s18  }
0x8e: {  	[smem:$0x3FC7] =	sst s2  }
0x8f: {  	_ = 	snop  }
0x90: {  	s2 =	sld [smem:$0x3FC9]  }
0x91: {  	s19 =	sld [smem:$0x3FD0];
	(tm) =	ssettm $0x1  }
0x92: {  	s4 =	sld [smem:$0x3FFB];
	_ =	sdelay $0x3  }
0x93: {  	_ =	strace s4  }
0x94: {  	s4 =	sld [smem:$0x3FFC];
	_ =	sdelay $0x3  }
0x95: {  	_ =	strace s4  }
0x96: {  	s4 =	sld [smem:$0x3FFD];
	_ =	sdelay $0x3  }
0x97: {  	_ =	strace s4  }
0x98: {  	_ =	strace $0x8FFFFFFF  }
0x99: {  	s20 =	sld [smem:$0x3FDB];
	_ =	sdelay $0x1  }
0x9a: {  	s5 =	simm.s32 $_scs_section_size  }
0x9b: {  	s6 =	simm.s32 $_size__tile_overlayer_lowered;
	s7 =	simm.s32 $_tile_overlayer_lowered  }
0x9c: {  	s23 =	simm.s32 $0x1BFF;
	s22 =	sshll.u32 s7, $0x1;
	s4 =	sadd.s32 s5, s20  }
0x9d: {  	s8 =	simm.s32 $0x0;
	s21 =	sshll.u32 s6, $0x1;
	s6 =	sadd.s32 s22, s4  }
0x9e: {  	[timem:s8], [sflag:s23] =	dma.local [hbm:s6], s21  }
0x9f: {  	_ =	swait.ge [sflag:s23], s21  }
0xa0: {  	s5 =	ssub.s32 $0x0, s21;
	[sflag:s23] =	ssyncset.done $0x0  }
0xa1: {  	[sflag:s23] =	ssyncadd.s32 s5;
	_ =	sdelay $0x1  }
0xa2: {  	s24 =	simm.s32 $0x1B8B  }
0xa3: {  	_ =	swait.ge [sflag:s24], $0x1  }
0xa4: {  	[sflag:s24] =	ssyncset.done $0x0  }
0xa5: {  	s25 =	simm.s32 $0x1B8E;
	[sflag:s24] =	ssyncadd.s32 $0xFFFFFFFF  }
0xa6: {  	s26 =	simm.s32 $execute0_lowered;
	[smem:$0x3FD2] =	sst s25  }
0xa7: {  	s5 =	sshll.u32 s26, $0x1;
	_ =	strace $0x80000046;
	[dreg:$0x1] =	wrdreg $0xFFFFFFFF  }
0xa8: {  	s28 =	simm.s32 $_size_execute0_lowered;
	s4 =	sadd.s32 s4, s5;
	[dreg:$0x0] =	wrdreg $0x0  }
0xa9: {  	s5 =	sshll.u32 s28, $0x1;
	[dreg:$0x2] =	wrdreg s4  }
0xaa: {  	[dreg:$0x3] =	wrdreg s5  }
0xab: {  	[dreg:$0x4] =	wrdreg $0xC0  }
0xac: {  	_ =	task [dreg:s8], $0x5FFFF  }
0xad: {  	[dreg:$0x1] =	wrdreg $0xFFFFFFFF  }
0xae: {  	[dreg:$0x0] =	wrdreg $0x60  }
0xaf: {  	[dreg:$0x2] =	wrdreg s2  }
0xb0: {  	[dreg:$0x3] =	wrdreg s19  }
0xb1: {  	[dreg:$0x4] =	wrdreg $0x9  }
0xb2: {  	_ =	task.clear_ibuf [dreg:s8], $0x5FFFF;
	_ =	strace $0x90000046  }
0xb3: {  	s29 =	simm.s32 $0x9;
	_ =	strace $0x80000048  }
0xb4: {  	_ =	swait.ge [sflag:s29], $0x1  }
0xb5: {  	[sflag:s29] =	ssyncadd.s32 $0xFFFFFFFF  }
0xb6: {  	_ =	strace $0x90000048  }
0xb7: {  	_ =	sfence  }
0xb8: {  	s30 =	sld [smem:$0x0];
	_ =	sdelay $0x2  }
0xb9: {  	s31 =	sshll.u32 s1, $0xD;
	s1 =	sshrl.u32 s1, $0x2  }
0xba: {  	s3 =	sand.u32 $0x4000, s31;
	s1 =	sadd.s32 s1, s30  }
0xbb: {  	s0 =	sor.u32 s3, s0;
	s1 =	sshll.u32 s1, $0x11  }
0xbc: {  	s0 =	sor.u32 s1, s0  }
0xbd: {  	s0 =	sadd.s32 $0x8F2B, s0  }
0xbe: {  	[sflag:s0] =	ssyncadd.remote.s32 $0x1  }
0xbf: {  	_ =	sfence.sel $0xFFFF  }
0xc0: {  	[dreg:$0x0] =	wrdreg $0xFFFFFFFF;
	(pc) =	sbr.abs _section_cstart, $3  }
0xc1: {  	[dreg:$0x1] =	wrdreg $0xFFFFFFFF  }
0xc2: {  	_ =	task.clear_ibuf [dreg:s8], $0x2FFFF;
	_ =	strace $0x9FFFFFFF  }
0xc3: {  	(tm) =	ssettm $0x7FFFFFFF  }
tec
execute0_lowered:
.L_overlay_start_1:
0x0: {  	(tag) =	ssettag $0x1  }
0x1: {  	s0 =	srdreg.scid;
	s2 =	rddreg [dreg:$0x0]  }
0x2: {  	s7 =	rddreg [dreg:$0x1];
	s1 =	stileid.u32  }
0x3: {  	s3 =	simm.s32 $0x0;
	s11 =	simm.s32 $0xFA0;
	s4 =	sand.u32 $0x1, s0  }
0x4: {  	s12 =	simm.s32 $0x2;
	s13 =	simm.s32 $0x3;
	s5 =	sshll.u32 s4, $0x4  }
0x5: {  	s14 =	simm.s32 $0x0;
	s4 =	ssub.s32 $0x2, s4;
	s5 =	sor.u32 s1, s5  }
0x6: {  	s0 =	rddreg [dreg:$0x2];
	s8 =	sshrl.u32 s4, $0x1;
	s6 =	smul.u32 $0x186A0, s5  }
0x7: {  	[smem:$0x7FF] =	sst s3;
	s10 =	smul.u32 $0x3100, s5;
	s8 =	ssub.s32 s4, s8  }
0x8: {  	_ =	strace $0x80000047;
	s8 =	smax.u32 s8, $0x1;
	s9 =	sshrl.u32 s6, $0x3  }
0x9: {  	s5 =	sadd.s32 $0x7D0, s6;
	s6 =	sadd.s32 $0xFA0, s6;
	s7 =	sadd.s32 s7, s10  }
0xa: {  	v0 =	vimm.f32 $0.0e+00;
	v1 =	vimm.f32 $1.000000000e+00;
	s10 =	simm.s32 $0x1;
	s4 =	sadd.s32 s2, s9;
	s9 =	simm.s32 $0x7D0  }
.LBB2_1:
0xb: {  	s15 =	simm.s32 $0x40;
	s16 =	simm.s32 $0x0  }
.LBB2_2:
0xc: {  	p0 =	sne.s32 s15, $0x61FC0;
	[tilespmem:s16+$0xFA0] =	vst v0;
	s16 =	smov.u32 s15;
	s15 =	sadd.s32 $0x40, s15  }
.Ltmp0:
0xd: {  	(pc) =	sbr.rel @p0 .LBB2_2-.Ltmp0, $2  }
0xe: {  	_ =	sdelay $0x2  }
0xf: {  	s16 =	sshra.s32 s16, $0x2  }
0x10: {  	[tilespmem:s16+$0xFA0] =	vst v0;
	s15 =	simm.s32 $0x0;
	s16 =	simm.s32 $0x0  }
0x11: {  	[tilespmem:s15], [sflag:$0x1] =	stream.linear.gather [hbm4b:s4+s15], $0x7D0, $0x38;
	[tilespmem:$0x197A0] =	vst v63  }
.LBB2_4:
0x12: {  	s17 =	smul.u32 $0xFA0, s16;
	_ =	sdelay $0x1  }
0x13: {  	s18 =	sadd.s32 s17, s5  }
0x14: {  	s18 =	sshrl.u32 s18, $0x3  }
0x15: {  	s18 =	sadd.s32 s2, s18  }
0x16: {  	[tilespmem:s9], [sflag:$0x2] =	stream.linear.gather [hbm4b:s18+s15], $0x7D0, $0x38;
	[tilespmem:$0x197A0] =	vst v63  }
0x17: {  	_ =	swait.ge [sflag:s10], $0x7D0  }
0x18: {  	[sflag:s10] =	ssyncset.done $0x0  }
0x19: {  	s19 =	simm.s32 $0x0;
	s18 =	simm.s32 $0x40;
	[sflag:s10] =	ssyncadd.s32 $0xFFFFF830  }
.LBB2_5:
0x1a: {  	p0 =	sne.s32 s18, $0x1F00;
	v2 =	vld [tilespmem:s19+$0x0];
	_ =	sdelay $0x3  }
.Ltmp1:
0x1b: {  	(pc) =	sbr.rel @p0 .LBB2_5-.Ltmp1, $2  }
0x1c: {  	_ =	sdelay $0x2  }
0x1d: {  	s19 =	sshra.s32 s18, $0x2;
	s18 =	sadd.s32 $0x40, s18;
	[tilespmem:v2+s11+$0x0] =	vst.idx.add.f32.msk $0xffff, v1  }
0x1e: {  	v2 =	vld [tilespmem:s19+$0x0];
	_ =	sdelay $0x4  }
0x1f: {  	p0 =	seq.s32 s16, $0x18  }
0x20: {  	s17 =	sadd.s32 @!p0 s17, s6  }
0x21: {  	s17 =	sshrl.u32 @!p0 s17, $0x3  }
0x22: {  	s18 =	simm.s32 @!p0 $0x0;
	s17 =	sadd.s32 @!p0 s2, s17;
	[tilespmem:v2+s11+$0x0] =	vst.idx.add.f32.msk $0xffff, v1  }
0x23: {  	[tilespmem:s18], [sflag:$0x1] =	stream.linear.gather @!p0 [hbm4b:s17+s18], $0x7D0, $0x38;
	[tilespmem:$0x197A0] =	vst v63  }
0x24: {  	_ =	swait.ge [sflag:s12], $0x7D0  }
0x25: {  	[sflag:s12] =	ssyncset.done $0x0  }
0x26: {  	s18 =	simm.s32 $0x0;
	s17 =	simm.s32 $0x40;
	[sflag:s12] =	ssyncadd.s32 $0xFFFFF830  }
.LBB2_7:
0x27: {  	p0 =	sne.s32 s17, $0x1F00;
	v2 =	vld [tilespmem:s18+$0x7D0];
	_ =	sdelay $0x3  }
.Ltmp2:
0x28: {  	(pc) =	sbr.rel @p0 .LBB2_7-.Ltmp2, $2  }
0x29: {  	_ =	sdelay $0x2  }
0x2a: {  	s18 =	sshra.s32 s17, $0x2;
	s17 =	sadd.s32 $0x40, s17;
	[tilespmem:v2+s11+$0x0] =	vst.idx.add.f32.msk $0xffff, v1  }
0x2b: {  	v2 =	vld [tilespmem:s18+$0x7D0];
	_ =	sdelay $0x1  }
0x2c: {  	s16 =	sadd.s32 $0x1, s16  }
0x2d: {  	p0 =	sne.s32 s16, $0x19  }
.Ltmp3:
0x2e: {  	_ = 	snop;
	(pc) =	sbr.rel @p0 .LBB2_4-.Ltmp3, $2  }
0x2f: {  	_ =	sdelay $0x2  }
0x30: {  	[tilespmem:v2+s11+$0x0] =	vst.idx.add.f32.msk $0xffff, v1  }
0x31: {  	s14 =	sadd.s32 $0x1, s14  }
0x32: {  	p0 =	sne.s32 s14, s8  }
.Ltmp4:
0x33: {  	_ = 	snop;
	(pc) =	sbr.rel @p0 .LBB2_1-.Ltmp4, $4  }
0x34: {  	[hbm4b:s7+s3] =	stream.linear.scatter [tilespmem:s11], [sflag:$0x3], $0x18800, $0x38;
	[tilespmem:$0x197A0] =	vst v63  }
0x35: {  	_ =	swait.ge [sflag:s13], $0x18800  }
0x36: {  	[sflag:s13] =	ssyncset.done $0x0  }
0x37: {  	[sflag:s13] =	ssyncadd.s32 $0xFFFE7800  }
0x38: {  	_ =	sfence.sel $0x180000  }
0x39: {  	[bflag:$0x0] =	sbarrier.arrive $0xFFFF  }
0x3a: {  	p0 =	sne.s32 s1, $0x0;
	_ =	strace $0x90000047  }
0x3b: {  	s0 =	sadd.s32 @!p0 $0x100000, s0;
	[bflag:$0x2] =	sbarrier.arrive $0xFFFF  }
0x3c: {  	[sflag:s0] =	ssyncadd.tile.s32 @!p0 $0x1;
	_ =	shalt  }
.Lfunc_end2:
_tile_overlayer_lowered:
.L_overlay_start_2:
0x3d: {  	(tag) =	ssettag $0x2  }
0x3e: {  	s0 =	rddreg [dreg:$0x0];
	s2 =	stileid.u32  }
0x3f: {  	s1 =	rddreg [dreg:$0x1];
	p0 =	sne.s32 s2, $0x0  }
0x40: {  	s3 =	rddreg [dreg:$0x2];
	[bflag:$0x3] =	sbarrier.arrive $0xFFFF;
	s2 =	simm.s32 @!p0 $0x1C03  }
0x41: {  	[timem:s3], [sflag:s2] =	dma.local @!p0 [hbm:s0], s1  }
0x42: {  	s0 =	simm.s32 @!p0 $0x3  }
0x43: {  	_ =	swait.ge @!p0 [sflag:s0], s1  }
0x44: {  	s1 =	ssub.s32 @!p0 $0x0, s1;
	[sflag:s0] =	ssyncset.done @!p0 $0x0  }
0x45: {  	[sflag:s0] =	ssyncadd.s32 @!p0 s1  }
0x46: {  	[bflag:$0x3] =	sbarrier.arrive $0xFFFF  }
0x47: {  	_ =	shalt  }

</sc_bundles>
